<compile_context>
chip_gen: v7x
topology: tpu7x:2x2x1
jax: 0.10.2.dev20260603
libtpu: 0.0.44.dev20260713+nightly
codegen_flags: <defaults>
</compile_context>

<pallas_src>
import functools

import jax
import jax.numpy as jnp
from jax import lax
from jax.experimental import pallas as pl
from jax.experimental.pallas import tpu as pltpu
from jax.experimental.pallas import tpu_sc as plsc


def _make_gather(B, D, C):
    info = plsc.get_sparse_core_info()
    nc, ns = info.num_cores, info.num_subcores
    nw = nc * ns
    n_per_w = B // nw
    n_chunks = n_per_w // C
    mesh = plsc.VectorSubcoreMesh(core_axis_name="c", subcore_axis_name="s")

    @functools.partial(
        pl.kernel,
        out_type=jax.ShapeDtypeStruct((B, 2 * D), jnp.float32),
        mesh=mesh,
        scratch_types=[
            pltpu.VMEM((C,), jnp.int32),
            pltpu.VMEM((C,), jnp.int32),
            pltpu.VMEM((C, D), jnp.float32),
            pltpu.VMEM((C, D), jnp.float32),
            pltpu.SemaphoreType.DMA,
            pltpu.SemaphoreType.DMA,
            pltpu.SemaphoreType.DMA,
        ],
        compiler_params=pltpu.CompilerParams(use_tc_tiling_on_sc=False),
    )
    def k(idx_hbm, table_hbm, out_hbm, idx_a, idx_b, rows_a, rows_b, isem, gsem, wsem):
        wid = lax.axis_index("s") * nc + lax.axis_index("c")
        base0 = wid * n_per_w
        bufs = ((idx_a, rows_a), (idx_b, rows_b))

        pltpu.sync_copy(idx_hbm.at[pl.ds(base0, C)], idx_a)
        pltpu.async_copy(table_hbm.at[idx_a], rows_a, gsem)
        pltpu.async_copy(idx_hbm.at[pl.ds(base0 + C, C)], idx_b, isem)

        @pl.loop(0, n_chunks, step=2)
        def _(j):
            for b in (0, 1):
                jj = j + b
                idx_c, rows_c = bufs[b]
                idx_n, rows_n = bufs[1 - b]
                pltpu.make_async_copy(
                    table_hbm.at[pl.ds(0, C)], rows_c, gsem
                ).wait()
                pltpu.async_copy(
                    rows_c, out_hbm.at[pl.ds(base0 + jj * C, C), pl.ds(0, D)], wsem
                )

                @pl.when(jj + 1 < n_chunks)
                def _():
                    pltpu.make_async_copy(
                        idx_hbm.at[pl.ds(0, C)], idx_n, isem
                    ).wait()

                    @pl.when(jj > 0)
                    def _():
                        pltpu.make_async_copy(
                            out_hbm.at[pl.ds(0, C), pl.ds(0, D)], rows_n, wsem
                        ).wait()

                    pltpu.async_copy(table_hbm.at[idx_n], rows_n, gsem)

                    @pl.when(jj + 2 < n_chunks)
                    def _():
                        pltpu.async_copy(
                            idx_hbm.at[pl.ds(base0 + (jj + 2) * C, C)], idx_c, isem
                        )

        pltpu.make_async_copy(out_hbm.at[pl.ds(0, C), pl.ds(0, D)], rows_a, wsem).wait()
        pltpu.make_async_copy(out_hbm.at[pl.ds(0, C), pl.ds(0, D)], rows_a, wsem).wait()

    return k


def kernel(inputs, table):
    V, D = table.shape
    B = inputs.shape[0] * inputs.shape[1]
    idx2 = inputs.reshape(B).astype(jnp.int32) * 2
    tpad2 = jnp.pad(table, ((0, 0), (0, D))).reshape(2 * V, D)
    out = _make_gather(B, D, 800)(idx2, tpad2)
    return out[:, :D].reshape(inputs.shape + (D,)), inputs

# --- scband reference (transcript-rebuilt; emitter-appended) ---
"""Pipeline reference for scband-embeddings-lut-38448547233912 (READ-ONLY COPY).

The authoritative reference and input builder live on the scoring server;
editing this copy changes nothing except your own understanding.
"""

import jax, jax.numpy as jnp
import numpy as np

VOCAB = 1000000
EMBED_DIM = 64
PAD_IDX = 0

def setup_inputs(seed: int = 0) -> dict:
    key = jax.random.key(seed)
    k1, k2 = jax.random.split(key)
    inputs = jax.random.randint(k1, (4096, 200), 0, VOCAB, dtype=jnp.int64) if jax.config.jax_enable_x64 else jax.random.randint(k1, (4096, 200), 0, VOCAB, dtype=jnp.int32)
    table = jax.random.normal(k2, (VOCAB, EMBED_DIM), dtype=jnp.float32)
    # torch Embedding with padding_idx initializes the padding row to zeros
    table = table.at[PAD_IDX].set(0.0)
    return {"inputs": inputs, "table": table}

def reference(inputs, table):
    # Faithful to the clear_text=False, input_embeddings=None branch:
    #   embeddings = self.lut_embeddings(inputs); return (embeddings, inputs, None)
    embeddings = jnp.take(table, inputs, axis=0)
    return (embeddings, inputs)

if __name__ == "__main__":
    import jax
    _d = setup_inputs()
    print(jax.jit(kernel)(*tuple(_d.values())))

</pallas_src>

<mosaic_0001>
#map = affine_map<(d0, d1) -> (0)>
#map1 = affine_map<(d0, d1) -> (0, 0)>
module attributes {stable_mosaic.version = 14 : i64} {
  func.func @k(%arg0: i32, %arg1: i32, %arg2: memref<819200xi32, #tpu.memory_space<hbm>>, %arg3: memref<2000000x64xf32, #tpu.memory_space<hbm>>, %arg4: memref<819200x128xf32, #tpu.memory_space<hbm>>, %arg5: memref<800xi32, #tpu.memory_space<vmem>>, %arg6: memref<800xi32, #tpu.memory_space<vmem>>, %arg7: memref<800x64xf32, #tpu.memory_space<vmem>>, %arg8: memref<800x64xf32, #tpu.memory_space<vmem>>, %arg9: memref<!tpu.dma_semaphore, #tpu.memory_space<semaphore_mem>>, %arg10: memref<!tpu.dma_semaphore, #tpu.memory_space<semaphore_mem>>, %arg11: memref<!tpu.dma_semaphore, #tpu.memory_space<semaphore_mem>>) attributes {dimension_semantics = [#tpu.dimension_semantics<core_parallel>, #tpu.dimension_semantics<subcore_parallel>], iteration_bounds = array<i64: 2, 16>, scalar_prefetch = 0 : i64, scratch_operands = 7 : i64, tpu.core_type = #tpu.core_type<sc_vector_subcore>, window_params = [{transform_indices = #map}, {transform_indices = #map1}, {transform_indices = #map1}]} {
    %mul3A = arith.constant 2 : i32
    %mul3A_0 = arith.muli %arg1, %mul3A : i32
    %add3A = arith.addi %mul3A_0, %arg0 : i32
    %mul3A_1 = arith.constant 25600 : i32
    %mul3A_2 = arith.muli %add3A, %mul3A_1 : i32
    "tpu.region"() ({
      %run_scoped3A = tpu.sem_alloc : memref<!tpu.dma_semaphore, #tpu.memory_space<semaphore_mem>>
      %dma_start3A_24 = tpu.memref_slice %arg2[%mul3A_2] : memref<819200xi32, #tpu.memory_space<hbm>> -> memref<800xi32, #tpu.memory_space<hbm>>
      %dma_start3A_25 = tpu.memref_slice %arg2[%mul3A_2] : memref<819200xi32, #tpu.memory_space<hbm>> -> memref<800xi32, #tpu.memory_space<hbm>>
      tpu.enqueue_dma source(%dma_start3A_25 : memref<800xi32, #tpu.memory_space<hbm>>) target(%arg5 : memref<800xi32, #tpu.memory_space<vmem>>) target_semaphore(%run_scoped3A : memref<!tpu.dma_semaphore, #tpu.memory_space<semaphore_mem>>)
      %dma_wait3A_26 = tpu.memref_slice %arg2[%mul3A_2] : memref<819200xi32, #tpu.memory_space<hbm>> -> memref<800xi32, #tpu.memory_space<hbm>>
      %dma_wait3A_27 = tpu.memref_slice %arg2[%mul3A_2] : memref<819200xi32, #tpu.memory_space<hbm>> -> memref<800xi32, #tpu.memory_space<hbm>>
      tpu.wait_dma2 semaphore(%run_scoped3A : memref<!tpu.dma_semaphore, #tpu.memory_space<semaphore_mem>>) src(%dma_wait3A_27 : memref<800xi32, #tpu.memory_space<hbm>>) dst(%arg5 : memref<800xi32, #tpu.memory_space<vmem>>)
      tpu.yield
    }) : () -> ()
    %dma_start3A = arith.constant 0 : i32
    %dma_start3A_3 = arith.constant 0 : i32
    %dma_start3A_4 = tpu.memref_slice %arg3[%dma_start3A, %dma_start3A_3] : memref<2000000x64xf32, #tpu.memory_space<hbm>> -> memref<2000000x64xf32, #tpu.memory_space<hbm>>
    tpu.enqueue_indirect_dma source(%dma_start3A_4 : memref<2000000x64xf32, #tpu.memory_space<hbm>>) target(%arg7 : memref<800x64xf32, #tpu.memory_space<vmem>>) offsets(%arg5 : memref<800xi32, #tpu.memory_space<vmem>>) semaphore(%arg10 : memref<!tpu.dma_semaphore, #tpu.memory_space<semaphore_mem>>)
    %add3A_5 = arith.constant 800 : i32
    %add3A_6 = arith.addi %mul3A_2, %add3A_5 : i32
    %dma_start3A_7 = tpu.memref_slice %arg2[%add3A_6] : memref<819200xi32, #tpu.memory_space<hbm>> -> memref<800xi32, #tpu.memory_space<hbm>>
    %dma_start3A_8 = tpu.memref_slice %arg2[%add3A_6] : memref<819200xi32, #tpu.memory_space<hbm>> -> memref<800xi32, #tpu.memory_space<hbm>>
    tpu.enqueue_dma source(%dma_start3A_8 : memref<800xi32, #tpu.memory_space<hbm>>) target(%arg6 : memref<800xi32, #tpu.memory_space<vmem>>) target_semaphore(%arg9 : memref<!tpu.dma_semaphore, #tpu.memory_space<semaphore_mem>>)
    %scan3A = arith.constant 0 : i32
    %scan3A_9 = arith.constant 16 : i32
    %scan3A_10 = arith.addi %scan3A, %scan3A_9 : i32
    %scan3A_11 = arith.constant 1 : i32
    scf.for %scan3A_24 = %scan3A to %scan3A_10 step %scan3A_11  : i32 {
      %mul3A_25 = arith.constant 2 : i32
      %mul3A_26 = arith.muli %scan3A_24, %mul3A_25 : i32
      %add3A_27 = arith.constant 0 : i32
      %add3A_28 = arith.addi %add3A_27, %mul3A_26 : i32
      %add3A_29 = arith.constant 0 : i32
      %add3A_30 = arith.addi %add3A_28, %add3A_29 : i32
      %dma_wait3A_31 = arith.constant 0 : i32
      %dma_wait3A_32 = arith.constant 0 : i32
      %dma_wait3A_33 = tpu.memref_slice %arg3[%dma_wait3A_31, %dma_wait3A_32] : memref<2000000x64xf32, #tpu.memory_space<hbm>> -> memref<800x64xf32, #tpu.memory_space<hbm>>
      %dma_wait3A_34 = arith.constant 0 : i32
      %dma_wait3A_35 = arith.constant 0 : i32
      %dma_wait3A_36 = tpu.memref_slice %arg3[%dma_wait3A_34, %dma_wait3A_35] : memref<2000000x64xf32, #tpu.memory_space<hbm>> -> memref<800x64xf32, #tpu.memory_space<hbm>>
      tpu.wait_dma2 semaphore(%arg10 : memref<!tpu.dma_semaphore, #tpu.memory_space<semaphore_mem>>) src(%dma_wait3A_36 : memref<800x64xf32, #tpu.memory_space<hbm>>) dst(%arg7 : memref<800x64xf32, #tpu.memory_space<vmem>>)
      %mul3A_37 = arith.constant 800 : i32
      %mul3A_38 = arith.muli %add3A_30, %mul3A_37 : i32
      %add3A_39 = arith.addi %mul3A_2, %mul3A_38 : i32
      %dma_start3A_40 = arith.constant 0 : i32
      %dma_start3A_41 = tpu.memref_slice %arg4[%add3A_39, %dma_start3A_40] : memref<819200x128xf32, #tpu.memory_space<hbm>> -> memref<800x64xf32, #tpu.memory_space<hbm>>
      %dma_start3A_42 = arith.constant 0 : i32
      %dma_start3A_43 = tpu.memref_slice %arg4[%add3A_39, %dma_start3A_42] : memref<819200x128xf32, #tpu.memory_space<hbm>> -> memref<800x64xf32, #tpu.memory_space<hbm>>
      tpu.enqueue_dma source(%arg7 : memref<800x64xf32, #tpu.memory_space<vmem>>) target(%dma_start3A_43 : memref<800x64xf32, #tpu.memory_space<hbm>>) target_semaphore(%arg11 : memref<!tpu.dma_semaphore, #tpu.memory_space<semaphore_mem>>)
      %add3A_44 = arith.constant 1 : i32
      %add3A_45 = arith.addi %add3A_30, %add3A_44 : i32
      %lt3A = arith.constant 32 : i32
      %lt3A_46 = arith.cmpi slt, %add3A_45, %lt3A : i32
      %convert_element_type3A = arith.extui %lt3A_46 : i1 to i32
      %cond3A = arith.constant 0 : i32
      %cond3A_47 = arith.cmpi ne, %convert_element_type3A, %cond3A : i32
      scf.if %cond3A_47 {
        %dma_wait3A_70 = arith.constant 0 : i32
        %dma_wait3A_71 = tpu.memref_slice %arg2[%dma_wait3A_70] : memref<819200xi32, #tpu.memory_space<hbm>> -> memref<800xi32, #tpu.memory_space<hbm>>
        %dma_wait3A_72 = arith.constant 0 : i32
        %dma_wait3A_73 = tpu.memref_slice %arg2[%dma_wait3A_72] : memref<819200xi32, #tpu.memory_space<hbm>> -> memref<800xi32, #tpu.memory_space<hbm>>
        tpu.wait_dma2 semaphore(%arg9 : memref<!tpu.dma_semaphore, #tpu.memory_space<semaphore_mem>>) src(%dma_wait3A_73 : memref<800xi32, #tpu.memory_space<hbm>>) dst(%arg6 : memref<800xi32, #tpu.memory_space<vmem>>)
        %gt3A = arith.constant 0 : i32
        %gt3A_74 = arith.cmpi sgt, %add3A_30, %gt3A : i32
        %convert_element_type3A_75 = arith.extui %gt3A_74 : i1 to i32
        %cond3A_76 = arith.constant 0 : i32
        %cond3A_77 = arith.cmpi ne, %convert_element_type3A_75, %cond3A_76 : i32
        scf.if %cond3A_77 {
          %dma_wait3A_88 = arith.constant 0 : i32
          %dma_wait3A_89 = arith.constant 0 : i32
          %dma_wait3A_90 = tpu.memref_slice %arg4[%dma_wait3A_88, %dma_wait3A_89] : memref<819200x128xf32, #tpu.memory_space<hbm>> -> memref<800x64xf32, #tpu.memory_space<hbm>>
          %dma_wait3A_91 = arith.constant 0 : i32
          %dma_wait3A_92 = arith.constant 0 : i32
          %dma_wait3A_93 = tpu.memref_slice %arg4[%dma_wait3A_91, %dma_wait3A_92] : memref<819200x128xf32, #tpu.memory_space<hbm>> -> memref<800x64xf32, #tpu.memory_space<hbm>>
          tpu.wait_dma2 semaphore(%arg11 : memref<!tpu.dma_semaphore, #tpu.memory_space<semaphore_mem>>) src(%dma_wait3A_93 : memref<800x64xf32, #tpu.memory_space<hbm>>) dst(%arg8 : memref<800x64xf32, #tpu.memory_space<vmem>>)
        } else {
        }
        %dma_start3A_78 = arith.constant 0 : i32
        %dma_start3A_79 = arith.constant 0 : i32
        %dma_start3A_80 = tpu.memref_slice %arg3[%dma_start3A_78, %dma_start3A_79] : memref<2000000x64xf32, #tpu.memory_space<hbm>> -> memref<2000000x64xf32, #tpu.memory_space<hbm>>
        tpu.enqueue_indirect_dma source(%dma_start3A_80 : memref<2000000x64xf32, #tpu.memory_space<hbm>>) target(%arg8 : memref<800x64xf32, #tpu.memory_space<vmem>>) offsets(%arg6 : memref<800xi32, #tpu.memory_space<vmem>>) semaphore(%arg10 : memref<!tpu.dma_semaphore, #tpu.memory_space<semaphore_mem>>)
        %add3A_81 = arith.constant 2 : i32
        %add3A_82 = arith.addi %add3A_30, %add3A_81 : i32
        %lt3A_83 = arith.constant 32 : i32
        %lt3A_84 = arith.cmpi slt, %add3A_82, %lt3A_83 : i32
        %convert_element_type3A_85 = arith.extui %lt3A_84 : i1 to i32
        %cond3A_86 = arith.constant 0 : i32
        %cond3A_87 = arith.cmpi ne, %convert_element_type3A_85, %cond3A_86 : i32
        scf.if %cond3A_87 {
          %add3A_88 = arith.constant 2 : i32
          %add3A_89 = arith.addi %add3A_30, %add3A_88 : i32
          %mul3A_90 = arith.constant 800 : i32
          %mul3A_91 = arith.muli %add3A_89, %mul3A_90 : i32
          %add3A_92 = arith.addi %mul3A_2, %mul3A_91 : i32
          %dma_start3A_93 = tpu.memref_slice %arg2[%add3A_92] : memref<819200xi32, #tpu.memory_space<hbm>> -> memref<800xi32, #tpu.memory_space<hbm>>
          %dma_start3A_94 = tpu.memref_slice %arg2[%add3A_92] : memref<819200xi32, #tpu.memory_space<hbm>> -> memref<800xi32, #tpu.memory_space<hbm>>
          tpu.enqueue_dma source(%dma_start3A_94 : memref<800xi32, #tpu.memory_space<hbm>>) target(%arg5 : memref<800xi32, #tpu.memory_space<vmem>>) target_semaphore(%arg9 : memref<!tpu.dma_semaphore, #tpu.memory_space<semaphore_mem>>)
        } else {
        }
      } else {
      }
      %add3A_48 = arith.constant 1 : i32
      %add3A_49 = arith.addi %add3A_28, %add3A_48 : i32
      %dma_wait3A_50 = arith.constant 0 : i32
      %dma_wait3A_51 = arith.constant 0 : i32
      %dma_wait3A_52 = tpu.memref_slice %arg3[%dma_wait3A_50, %dma_wait3A_51] : memref<2000000x64xf32, #tpu.memory_space<hbm>> -> memref<800x64xf32, #tpu.memory_space<hbm>>
      %dma_wait3A_53 = arith.constant 0 : i32
      %dma_wait3A_54 = arith.constant 0 : i32
      %dma_wait3A_55 = tpu.memref_slice %arg3[%dma_wait3A_53, %dma_wait3A_54] : memref<2000000x64xf32, #tpu.memory_space<hbm>> -> memref<800x64xf32, #tpu.memory_space<hbm>>
      tpu.wait_dma2 semaphore(%arg10 : memref<!tpu.dma_semaphore, #tpu.memory_space<semaphore_mem>>) src(%dma_wait3A_55 : memref<800x64xf32, #tpu.memory_space<hbm>>) dst(%arg8 : memref<800x64xf32, #tpu.memory_space<vmem>>)
      %mul3A_56 = arith.constant 800 : i32
      %mul3A_57 = arith.muli %add3A_49, %mul3A_56 : i32
      %add3A_58 = arith.addi %mul3A_2, %mul3A_57 : i32
      %dma_start3A_59 = arith.constant 0 : i32
      %dma_start3A_60 = tpu.memref_slice %arg4[%add3A_58, %dma_start3A_59] : memref<819200x128xf32, #tpu.memory_space<hbm>> -> memref<800x64xf32, #tpu.memory_space<hbm>>
      %dma_start3A_61 = arith.constant 0 : i32
      %dma_start3A_62 = tpu.memref_slice %arg4[%add3A_58, %dma_start3A_61] : memref<819200x128xf32, #tpu.memory_space<hbm>> -> memref<800x64xf32, #tpu.memory_space<hbm>>
      tpu.enqueue_dma source(%arg8 : memref<800x64xf32, #tpu.memory_space<vmem>>) target(%dma_start3A_62 : memref<800x64xf32, #tpu.memory_space<hbm>>) target_semaphore(%arg11 : memref<!tpu.dma_semaphore, #tpu.memory_space<semaphore_mem>>)
      %add3A_63 = arith.constant 1 : i32
      %add3A_64 = arith.addi %add3A_49, %add3A_63 : i32
      %lt3A_65 = arith.constant 32 : i32
      %lt3A_66 = arith.cmpi slt, %add3A_64, %lt3A_65 : i32
      %convert_element_type3A_67 = arith.extui %lt3A_66 : i1 to i32
      %cond3A_68 = arith.constant 0 : i32
      %cond3A_69 = arith.cmpi ne, %convert_element_type3A_67, %cond3A_68 : i32
      scf.if %cond3A_69 {
        %dma_wait3A_70 = arith.constant 0 : i32
        %dma_wait3A_71 = tpu.memref_slice %arg2[%dma_wait3A_70] : memref<819200xi32, #tpu.memory_space<hbm>> -> memref<800xi32, #tpu.memory_space<hbm>>
        %dma_wait3A_72 = arith.constant 0 : i32
        %dma_wait3A_73 = tpu.memref_slice %arg2[%dma_wait3A_72] : memref<819200xi32, #tpu.memory_space<hbm>> -> memref<800xi32, #tpu.memory_space<hbm>>
        tpu.wait_dma2 semaphore(%arg9 : memref<!tpu.dma_semaphore, #tpu.memory_space<semaphore_mem>>) src(%dma_wait3A_73 : memref<800xi32, #tpu.memory_space<hbm>>) dst(%arg5 : memref<800xi32, #tpu.memory_space<vmem>>)
        %gt3A = arith.constant 0 : i32
        %gt3A_74 = arith.cmpi sgt, %add3A_49, %gt3A : i32
        %convert_element_type3A_75 = arith.extui %gt3A_74 : i1 to i32
        %cond3A_76 = arith.constant 0 : i32
        %cond3A_77 = arith.cmpi ne, %convert_element_type3A_75, %cond3A_76 : i32
        scf.if %cond3A_77 {
          %dma_wait3A_88 = arith.constant 0 : i32
          %dma_wait3A_89 = arith.constant 0 : i32
          %dma_wait3A_90 = tpu.memref_slice %arg4[%dma_wait3A_88, %dma_wait3A_89] : memref<819200x128xf32, #tpu.memory_space<hbm>> -> memref<800x64xf32, #tpu.memory_space<hbm>>
          %dma_wait3A_91 = arith.constant 0 : i32
          %dma_wait3A_92 = arith.constant 0 : i32
          %dma_wait3A_93 = tpu.memref_slice %arg4[%dma_wait3A_91, %dma_wait3A_92] : memref<819200x128xf32, #tpu.memory_space<hbm>> -> memref<800x64xf32, #tpu.memory_space<hbm>>
          tpu.wait_dma2 semaphore(%arg11 : memref<!tpu.dma_semaphore, #tpu.memory_space<semaphore_mem>>) src(%dma_wait3A_93 : memref<800x64xf32, #tpu.memory_space<hbm>>) dst(%arg7 : memref<800x64xf32, #tpu.memory_space<vmem>>)
        } else {
        }
        %dma_start3A_78 = arith.constant 0 : i32
        %dma_start3A_79 = arith.constant 0 : i32
        %dma_start3A_80 = tpu.memref_slice %arg3[%dma_start3A_78, %dma_start3A_79] : memref<2000000x64xf32, #tpu.memory_space<hbm>> -> memref<2000000x64xf32, #tpu.memory_space<hbm>>
        tpu.enqueue_indirect_dma source(%dma_start3A_80 : memref<2000000x64xf32, #tpu.memory_space<hbm>>) target(%arg7 : memref<800x64xf32, #tpu.memory_space<vmem>>) offsets(%arg5 : memref<800xi32, #tpu.memory_space<vmem>>) semaphore(%arg10 : memref<!tpu.dma_semaphore, #tpu.memory_space<semaphore_mem>>)
        %add3A_81 = arith.constant 2 : i32
        %add3A_82 = arith.addi %add3A_49, %add3A_81 : i32
        %lt3A_83 = arith.constant 32 : i32
        %lt3A_84 = arith.cmpi slt, %add3A_82, %lt3A_83 : i32
        %convert_element_type3A_85 = arith.extui %lt3A_84 : i1 to i32
        %cond3A_86 = arith.constant 0 : i32
        %cond3A_87 = arith.cmpi ne, %convert_element_type3A_85, %cond3A_86 : i32
        scf.if %cond3A_87 {
          %add3A_88 = arith.constant 2 : i32
          %add3A_89 = arith.addi %add3A_49, %add3A_88 : i32
          %mul3A_90 = arith.constant 800 : i32
          %mul3A_91 = arith.muli %add3A_89, %mul3A_90 : i32
          %add3A_92 = arith.addi %mul3A_2, %mul3A_91 : i32
          %dma_start3A_93 = tpu.memref_slice %arg2[%add3A_92] : memref<819200xi32, #tpu.memory_space<hbm>> -> memref<800xi32, #tpu.memory_space<hbm>>
          %dma_start3A_94 = tpu.memref_slice %arg2[%add3A_92] : memref<819200xi32, #tpu.memory_space<hbm>> -> memref<800xi32, #tpu.memory_space<hbm>>
          tpu.enqueue_dma source(%dma_start3A_94 : memref<800xi32, #tpu.memory_space<hbm>>) target(%arg6 : memref<800xi32, #tpu.memory_space<vmem>>) target_semaphore(%arg9 : memref<!tpu.dma_semaphore, #tpu.memory_space<semaphore_mem>>)
        } else {
        }
      } else {
      }
    }
    %scan3A_12 = arith.constant 16 : i32
    %dma_wait3A = arith.constant 0 : i32
    %dma_wait3A_13 = arith.constant 0 : i32
    %dma_wait3A_14 = tpu.memref_slice %arg4[%dma_wait3A, %dma_wait3A_13] : memref<819200x128xf32, #tpu.memory_space<hbm>> -> memref<800x64xf32, #tpu.memory_space<hbm>>
    %dma_wait3A_15 = arith.constant 0 : i32
    %dma_wait3A_16 = arith.constant 0 : i32
    %dma_wait3A_17 = tpu.memref_slice %arg4[%dma_wait3A_15, %dma_wait3A_16] : memref<819200x128xf32, #tpu.memory_space<hbm>> -> memref<800x64xf32, #tpu.memory_space<hbm>>
    tpu.wait_dma2 semaphore(%arg11 : memref<!tpu.dma_semaphore, #tpu.memory_space<semaphore_mem>>) src(%dma_wait3A_17 : memref<800x64xf32, #tpu.memory_space<hbm>>) dst(%arg7 : memref<800x64xf32, #tpu.memory_space<vmem>>)
    %dma_wait3A_18 = arith.constant 0 : i32
    %dma_wait3A_19 = arith.constant 0 : i32
    %dma_wait3A_20 = tpu.memref_slice %arg4[%dma_wait3A_18, %dma_wait3A_19] : memref<819200x128xf32, #tpu.memory_space<hbm>> -> memref<800x64xf32, #tpu.memory_space<hbm>>
    %dma_wait3A_21 = arith.constant 0 : i32
    %dma_wait3A_22 = arith.constant 0 : i32
    %dma_wait3A_23 = tpu.memref_slice %arg4[%dma_wait3A_21, %dma_wait3A_22] : memref<819200x128xf32, #tpu.memory_space<hbm>> -> memref<800x64xf32, #tpu.memory_space<hbm>>
    tpu.wait_dma2 semaphore(%arg11 : memref<!tpu.dma_semaphore, #tpu.memory_space<semaphore_mem>>) src(%dma_wait3A_23 : memref<800x64xf32, #tpu.memory_space<hbm>>) dst(%arg7 : memref<800x64xf32, #tpu.memory_space<vmem>>)
    return
  }
}

</mosaic_0001>

<sc_bundles>
// kernel: kernel.3.cloned.1.call-start
scs
__scs_entry_jumppad:
0x0: {  	(pc) =	sbr.rel $0x88, $3  }
0x1: {  	(tag) =	ssettag $0x0;
	lr =	simm.s32 $0x1  }
0x2: {  	[smem:$0x3F9F] =	sst lr;
	_ =	strace $0xD0000000  }
0x3: {  	_ = 	snop  }
0x4: {  	_ = 	snop  }
0x5: {  	_ = 	snop  }
0x6: {  	_ = 	snop  }
0x7: {  	_ = 	snop  }
__scs_overlays_trampoline_lowered:
0x8: {  	[smem:$0x3FAE] =	sst s0  }
0x9: {  	[smem:$0x3FAF] =	sst s1  }
0xa: {  	[smem:$0x3FB0] =	sst s2  }
0xb: {  	[smem:$0x3FB1] =	sst s3  }
0xc: {  	[smem:$0x3FB2] =	sst s4  }
0xd: {  	[smem:$0x3FB3] =	sst s5  }
0xe: {  	[smem:$0x3FB4] =	sst s6  }
0xf: {  	[smem:$0x3FB5] =	sst s7  }
0x10: {  	[smem:$0x3FB6] =	sst s8  }
0x11: {  	[smem:$0x3FB7] =	sst s9;
	s0 =	simm.s32 @!p0 $0x0  }
0x12: {  	s1 =	sld [smem:$0x3F9D];
	s0 =	simm.s32 @p0 $0x1  }
0x13: {  	[smem:$0x3FB8] =	sst s0;
	s0 =	simm.s32 @!p1 $0x0  }
0x14: {  	s2 =	sld [smem:$0x3F9C];
	s0 =	simm.s32 @p1 $0x1  }
0x15: {  	[smem:$0x3FB9] =	sst s0;
	s0 =	simm.s32 @!p2 $0x0  }
0x16: {  	s3 =	sld [smem:$0x3FDB];
	s0 =	simm.s32 @p2 $0x1  }
0x17: {  	s4 =	simm.s32 $0x1BF5;
	[smem:$0x3FBB] =	sst s0  }
0x18: {  	s0 =	sld [smem:$0x3F9E];
	_ =	swait.ge [sflag:s4], $0x0  }
0x19: {  	s7 =	sld [smem:$0x3F9F]  }
0x1a: {  	s8 =	sadd.s32 $0xFFFFE003, lr  }
0x1b: {  	s9 =	sadd.s32 $0xFFFFFEF7, lr;
	s5 =	simm.s32 $0xFFFFFFFF;
	p2 =	slt.u32 s8, $0xFFFFF086  }
0x1c: {  	p1 =	slt.u32 s9, $0xF7A;
	s5 =	simm.s32 @!p2 $0x0  }
0x1d: {  	s5 =	simm.s32 @p1 $0x1;
	p0 =	seq.s32 s7, s2  }
0x1e: {  	s7 =	smul.u32 @!p0 $0xF7A, s2;
	p2 =	seq.s32 @!p0 s5, $0x0  }
0x1f: {  	s9 =	smul.u32 $0xF7A, s1;
	s8 =	simm.s32 @!p0 $0x1BF5;
	p2 =	por !p2, p0  }
0x20: {  	[sflag:s8] =	ssyncset.s32 @!p0 $0xFFFFF086;
	s6 =	sadd.s32 @!p0 s3, s7;
	s7 =	simm.s32 @!p0 $0x108  }
0x21: {  	s3 =	sadd.s32 s3, s9;
	s6 =	sadd.s32 @!p0 $0x88, s6;
	s7 =	simm.s32 @p2 $0x1082  }
0x22: {  	[simem:s7], [sflag:s8] =	dma.local @!p0 [hbm:s6], $0xF7A  }
0x23: {  	s9 =	sor.u32 $0xD0000000, s2;
	s6 =	simm.s32 $0x108;
	_ =	swait.ge @!p0 [sflag:s8], $0x0  }
0x24: {  	s3 =	sadd.s32 $0x88, s3;
	s6 =	simm.s32 @!p1 $0x1082;
	[sflag:s4] =	ssyncset.s32 $0xFFFFF086  }
0x25: {  	[simem:s6], [sflag:s4] =	dma.local [hbm:s3], $0xF7A  }
0x26: {  	[smem:$0x3F9F] =	sst s1;
	(tag) =	ssettag s2;
	_ =	strace s9  }
0x27: {  	s1 =	sld [smem:$0x3FAF]  }
0x28: {  	s2 =	sld [smem:$0x3FB0]  }
0x29: {  	s4 =	sld [smem:$0x3FB2]  }
0x2a: {  	p0 =	seq.s32 s5, $0x0;
	s5 =	sld [smem:$0x3FB3]  }
0x2b: {  	s6 =	sld [smem:$0x3FB4]  }
0x2c: {  	s7 =	sld [smem:$0x3FB5]  }
0x2d: {  	s3 =	simm.s32 $0x108;
	s8 =	sld [smem:$0x3FB6]  }
0x2e: {  	s3 =	simm.s32 @!p0 $0x1082;
	s9 =	sld [smem:$0x3FB7]  }
0x2f: {  	lr =	sadd.s32 s0, s3;
	s0 =	sld [smem:$0x3FAE]  }
0x30: {  	s3 =	sld [smem:$0x3FB1]  }
0x31: {  	[smem:$0x3FBA] =	sst s10  }
0x32: {  	s10 =	sld [smem:$0x3FB8];
	_ =	sdelay $0x3  }
0x33: {  	p0 =	seq.s32 s10, $0x1;
	s10 =	sld [smem:$0x3FBA];
	_ =	sdelay $0x3  }
0x34: {  	[smem:$0x3FBA] =	sst s10  }
0x35: {  	s10 =	sld [smem:$0x3FB9];
	_ =	sdelay $0x3  }
0x36: {  	p1 =	seq.s32 s10, $0x1;
	s10 =	sld [smem:$0x3FBA];
	_ =	sdelay $0x3  }
0x37: {  	[smem:$0x3FBA] =	sst s10  }
0x38: {  	s10 =	sld [smem:$0x3FBB]  }
0x39: {  	_ = 	snop;
	(pc) =	sbr.ind lr, $3  }
0x3a: {  	_ = 	snop  }
0x3b: {  	_ = 	snop  }
0x3c: {  	p2 =	seq.s32 s10, $0x1;
	s10 =	sld [smem:$0x3FBA]  }
0x3d: {  	_ =	shalt  }
0x3e: {  	_ =	shalt  }
0x3f: {  	_ =	shalt  }
0x40: {  	_ =	shalt  }
0x41: {  	_ =	shalt  }
0x42: {  	_ =	shalt  }
0x43: {  	_ =	shalt  }
0x44: {  	_ =	shalt  }
0x45: {  	_ =	shalt  }
0x46: {  	_ =	shalt  }
0x47: {  	_ =	shalt  }
0x48: {  	_ =	shalt  }
0x49: {  	_ =	shalt  }
0x4a: {  	_ =	shalt  }
0x4b: {  	_ =	shalt  }
0x4c: {  	_ =	shalt  }
0x4d: {  	_ =	shalt  }
0x4e: {  	_ =	shalt  }
0x4f: {  	_ =	shalt  }
0x50: {  	_ =	shalt  }
0x51: {  	_ =	shalt  }
0x52: {  	_ =	shalt  }
0x53: {  	_ =	shalt  }
0x54: {  	_ =	shalt  }
0x55: {  	_ =	shalt  }
0x56: {  	_ =	shalt  }
0x57: {  	_ =	shalt  }
0x58: {  	_ =	shalt  }
0x59: {  	_ =	shalt  }
0x5a: {  	_ =	shalt  }
0x5b: {  	_ =	shalt  }
0x5c: {  	_ =	shalt  }
0x5d: {  	_ =	shalt  }
0x5e: {  	_ =	shalt  }
0x5f: {  	_ =	shalt  }
0x60: {  	_ =	shalt  }
0x61: {  	_ =	shalt  }
0x62: {  	_ =	shalt  }
0x63: {  	_ =	shalt  }
0x64: {  	_ =	shalt  }
0x65: {  	_ =	shalt  }
0x66: {  	_ =	shalt  }
0x67: {  	_ =	shalt  }
0x68: {  	_ =	shalt  }
0x69: {  	_ =	shalt  }
0x6a: {  	_ =	shalt  }
0x6b: {  	_ =	shalt  }
0x6c: {  	_ =	shalt  }
0x6d: {  	_ =	shalt  }
0x6e: {  	_ =	shalt  }
0x6f: {  	_ =	shalt  }
0x70: {  	_ =	shalt  }
0x71: {  	_ =	shalt  }
0x72: {  	_ =	shalt  }
0x73: {  	_ =	shalt  }
0x74: {  	_ =	shalt  }
0x75: {  	_ =	shalt  }
0x76: {  	_ =	shalt  }
0x77: {  	_ =	shalt  }
0x78: {  	_ =	shalt  }
0x79: {  	_ =	shalt  }
0x7a: {  	_ =	shalt  }
0x7b: {  	_ =	shalt  }
0x7c: {  	_ =	shalt  }
0x7d: {  	_ =	shalt  }
0x7e: {  	_ =	shalt  }
0x7f: {  	_ =	shalt  }
0x80: {  	_ =	shalt  }
0x81: {  	_ =	shalt  }
0x82: {  	_ =	shalt  }
0x83: {  	_ =	shalt  }
0x84: {  	_ =	shalt  }
0x85: {  	_ =	shalt  }
0x86: {  	_ =	shalt  }
0x87: {  	_ =	shalt  }
.Lfunc_end0:
.L_simem_size_0:
called_computation.2_lowered:
.L_overlay_start_0:
0x88: {  	s2 =	sld [smem:$0x3FD9]  }
0x89: {  	s3 =	sld [smem:$0x3FFE];
	_ =	sdelay $0x1  }
0x8a: {  	s1 =	srdreg.scid  }
0x8b: {  	s0 =	sand.u32 $0x1, s1  }
0x8c: {  	s14 =	sshll.u32 s0, $0xA;
	s2 =	sadd.s32 s3, s2  }
0x8d: {  	s2 =	sadd.s32 s2, s14  }
0x8e: {  	[smem:$0x3FC6] =	sst s2  }
0x8f: {  	_ = 	snop  }
0x90: {  	s2 =	sld [smem:$0x3FD0];
	_ =	sdelay $0x2  }
0x91: {  	s15 =	simm.s32 $0xA;
	s4 =	simm.s32 $0x10  }
0x92: {  	[smem:s4], [sflag:s15] =	dma.local [hbm:s2], $0x1  }
0x93: {  	_ =	swait.eq [sflag:s15], $0x1  }
0x94: {  	[sflag:s15] =	ssyncset.done $0x0  }
0x95: {  	[sflag:s15] =	ssyncadd.s32 $0xFFFFFFFF  }
0x96: {  	s16 =	sld [smem:$0x11];
	(tm) =	ssettm $0x1  }
0x97: {  	s17 =	sld [smem:$0x3FFB];
	_ =	sdelay $0x3  }
0x98: {  	_ =	strace s17  }
0x99: {  	s3 =	sld [smem:$0x3FFC];
	_ =	sdelay $0x3  }
0x9a: {  	_ =	strace s3  }
0x9b: {  	s3 =	sld [smem:$0x3FFD];
	_ =	sdelay $0x3  }
0x9c: {  	_ =	strace s3  }
0x9d: {  	_ =	strace $0x8FFFFFFF  }
0x9e: {  	s18 =	sld [smem:$0x3FDB];
	_ =	sdelay $0x1  }
0x9f: {  	s19 =	simm.s32 $_scs_section_size  }
0xa0: {  	s5 =	simm.s32 $_size__tile_overlayer_lowered;
	s6 =	simm.s32 $_tile_overlayer_lowered  }
0xa1: {  	s22 =	simm.s32 $0x1BFF;
	s21 =	sshll.u32 s6, $0x1;
	s3 =	sadd.s32 s19, s18  }
0xa2: {  	s7 =	simm.s32 $0x0;
	s20 =	sshll.u32 s5, $0x1;
	s5 =	sadd.s32 s21, s3  }
0xa3: {  	[timem:s7], [sflag:s22] =	dma.local [hbm:s5], s20  }
0xa4: {  	_ =	swait.ge [sflag:s22], s20  }
0xa5: {  	s4 =	ssub.s32 $0x0, s20;
	[sflag:s22] =	ssyncset.done $0x0  }
0xa6: {  	[sflag:s22] =	ssyncadd.s32 s4;
	_ =	sdelay $0x1  }
0xa7: {  	s23 =	simm.s32 $0x1B8B  }
0xa8: {  	_ =	swait.ge [sflag:s23], $0x1  }
0xa9: {  	[sflag:s23] =	ssyncset.done $0x0  }
0xaa: {  	s25 =	simm.s32 $0x1B8E;
	s24 =	sld [smem:$0x3FFE];
	[sflag:s23] =	ssyncadd.s32 $0xFFFFFFFF  }
0xab: {  	s26 =	simm.s32 $execute0_lowered;
	[smem:$0x3FD2] =	sst s25  }
0xac: {  	s5 =	sshll.u32 s26, $0x1;
	_ =	strace $0x80000049;
	[dreg:$0x1] =	wrdreg $0xFFFFFFFF  }
0xad: {  	s28 =	simm.s32 $_size_execute0_lowered;
	s3 =	sadd.s32 s3, s5;
	[dreg:$0x0] =	wrdreg $0x0  }
0xae: {  	s5 =	sshll.u32 s28, $0x1;
	[dreg:$0x2] =	wrdreg s3  }
0xaf: {  	[dreg:$0x3] =	wrdreg s5  }
0xb0: {  	[dreg:$0x4] =	wrdreg $0xC0  }
0xb1: {  	_ =	task [dreg:s7], $0x5FFFF  }
0xb2: {  	[dreg:$0x1] =	wrdreg $0xFFFFFFFF  }
0xb3: {  	[dreg:$0x0] =	wrdreg $0x60  }
0xb4: {  	[dreg:$0x2] =	wrdreg s16  }
0xb5: {  	[dreg:$0x3] =	wrdreg s24  }
0xb6: {  	[dreg:$0x4] =	wrdreg $0x9  }
0xb7: {  	_ =	task.clear_ibuf [dreg:s7], $0x5FFFF;
	_ =	strace $0x90000049  }
0xb8: {  	s29 =	simm.s32 $0x9;
	_ =	strace $0x8000004B  }
0xb9: {  	_ =	swait.ge [sflag:s29], $0x1  }
0xba: {  	[sflag:s29] =	ssyncadd.s32 $0xFFFFFFFF  }
0xbb: {  	_ =	strace $0x9000004B  }
0xbc: {  	_ =	sfence  }
0xbd: {  	s30 =	sld [smem:$0x0];
	_ =	sdelay $0x2  }
0xbe: {  	s31 =	sshll.u32 s1, $0xD;
	s1 =	sshrl.u32 s1, $0x2  }
0xbf: {  	s3 =	sand.u32 $0x4000, s31;
	s1 =	sadd.s32 s1, s30  }
0xc0: {  	s0 =	sor.u32 s3, s0;
	s1 =	sshll.u32 s1, $0x11  }
0xc1: {  	s0 =	sor.u32 s1, s0  }
0xc2: {  	s0 =	sadd.s32 $0x8F2B, s0  }
0xc3: {  	[sflag:s0] =	ssyncadd.remote.s32 $0x1  }
0xc4: {  	_ =	sfence.sel $0xFFFF  }
0xc5: {  	[dreg:$0x0] =	wrdreg $0xFFFFFFFF;
	(pc) =	sbr.abs _section_cstart, $3  }
0xc6: {  	[dreg:$0x1] =	wrdreg $0xFFFFFFFF  }
0xc7: {  	_ =	task.clear_ibuf [dreg:s7], $0x2FFFF;
	_ =	strace $0x9FFFFFFF  }
0xc8: {  	(tm) =	ssettm $0x7FFFFFFF  }
0xc9: {  	_ =	shalt  }
tec
execute0_lowered:
.L_overlay_start_1:
0x0: {  	(tag) =	ssettag $0x1  }
0x1: {  	s13 =	rddreg [dreg:$0x0]  }
0x2: {  	s4 =	rddreg [dreg:$0x1]  }
0x3: {  	s0 =	rddreg [dreg:$0x2];
	s2 =	simm.s32 $0x0;
	s3 =	srdreg.scid  }
0x4: {  	s1 =	stileid.u32;
	s19 =	simm.s32 $0x40;
	s20 =	simm.s32 $0x80  }
0x5: {  	s21 =	simm.s32 $0x1;
	s22 =	simm.s32 $0xCE40;
	s23 =	simm.s32 $0x3  }
0x6: {  	[smem:$0x7FF] =	sst s2;
	s12 =	sand.u32 $0x1, s3;
	s9 =	smul.u32 $0xC800, s1  }
0x7: {  	s24 =	sshll.u32 s1, $0x1;
	s3 =	sadd.s32 $0xF43400, s4;
	s16 =	smul.u32 $0xC8000, s1  }
0x8: {  	s14 =	sadd.s32 $0x1000, s4;
	_ =	strace $0x8000004A;
	s28 =	smul.u32 $0x6400, s12  }
0x9: {  	s5 =	sor.u32 s12, s24;
	s25 =	ssub.s32 $0x2, s12;
	s18 =	smul.u32 $0x64000, s12  }
0xa: {  	s24 =	simm.s32 $0x0;
	s6 =	smul.u32 $0x6400, s5;
	s26 =	sshrl.u32 s25, $0x1  }
0xb: {  	s7 =	smul.u32 $0x64000, s5;
	s10 =	ssub.s32 s25, s26;
	s15 =	sadd.s32 s28, s9  }
0xc: {  	s8 =	sshrl.u32 s6, $0x3;
	s11 =	sshll.u32 s6, $0x4;
	s6 =	smax.u32 s10, $0x1  }
0xd: {  	s7 =	sadd.s32 s14, s7;
	s30 =	sadd.s32 $0xFA0, s15;
	s17 =	sshll.u32 s15, $0x4  }
0xe: {  	s15 =	sadd.s32 $0xC80, s15;
	s4 =	sadd.s32 s13, s8;
	s29 =	sadd.s32 s11, s14  }
0xf: {  	s11 =	sshrl.u32 s30, $0x3;
	s31 =	sadd.s32 s14, s17;
	s14 =	sadd.s32 s16, s14  }
.Ltmp0:
0x10: {  	s15 =	sshrl.u32 s15, $0x3;
	s16 =	simm.s32 $0x320;
	(pc) =	sbr.rel .LBB2_1-.Ltmp0, $4  }
0x11: {  	s17 =	simm.s32 $0x640;
	s5 =	sadd.s32 $0x64, s4;
	s8 =	sadd.s32 $0xC8, s4  }
0x12: {  	s9 =	sadd.s32 $0x3200, s29;
	s10 =	sadd.s32 $0x12C, s4;
	s11 =	sadd.s32 s11, s13  }
0x13: {  	s12 =	sadd.s32 $0x9600, s31;
	s14 =	sadd.s32 s18, s14;
	s13 =	sadd.s32 s15, s13  }
0x14: {  	s15 =	simm.s32 $0x4;
	s18 =	simm.s32 $0x2;
	s14 =	sadd.s32 $0x6400, s14  }
.LBB2_4:
0x15: {  	s24 =	sadd.s32 $0x1, s24  }
0x16: {  	_ =	swait.ge [sflag:s23], $0xC800;
	p0 =	sne.s32 s24, s6  }
.Ltmp1:
0x17: {  	[sflag:s23] =	ssyncset.done $0x0;
	(pc) =	sbr.rel @!p0 .LBB2_5-.Ltmp1, $4  }
0x18: {  	[sflag:s23] =	ssyncadd.s32 $0xFFFF3800  }
0x19: {  	_ =	swait.ge [sflag:s23], $0xC800  }
0x1a: {  	[sflag:s23] =	ssyncset.done $0x0  }
0x1b: {  	[sflag:s23] =	ssyncadd.s32 $0xFFFF3800  }
.LBB2_1:
0x1c: {  	[tilespmem:s2], [sflag:$0x4] =	stream.linear.gather [hbm4b:s4+s2], $0x320, $0x38;
	[tilespmem:$0x19640] =	vst v63  }
0x1d: {  	_ =	swait.ge [sflag:s15], $0x320  }
0x1e: {  	[sflag:s15] =	ssyncset.done $0x0  }
0x1f: {  	[sflag:s15] =	ssyncadd.s32 $0xFFFFFCE0  }
0x20: {  	[tilespmem:s17], [sflag:$0x2] =	stream.indirect.gather [hbm4b:s3+s16], $0x40, s2, s16, $0xb8;
	[tilespmem:$0x19640] =	vst v63  }
0x21: {  	_ = 	snop  }
0x22: {  	[tilespmem:s16], [sflag:$0x1] =	stream.linear.gather [hbm4b:s5+s2], $0x320, $0x38;
	[tilespmem:$0x19640] =	vst v63  }
0x23: {  	_ =	swait.ge [sflag:s18], $0xC800  }
0x24: {  	[sflag:s18] =	ssyncset.done $0x0  }
0x25: {  	[sflag:s18] =	ssyncadd.s32 $0xFFFF3800  }
0x26: {  	[hbm4b:s7+s19] =	stream.strided.scatter [tilespmem:s17], [sflag:$0x3], $0xC800, s20, s19, $0x38;
	[tilespmem:$0x19640] =	vst v63  }
0x27: {  	_ =	swait.ge [sflag:s21], $0x320  }
0x28: {  	[sflag:s21] =	ssyncset.done $0x0  }
0x29: {  	[sflag:s21] =	ssyncadd.s32 $0xFFFFFCE0  }
0x2a: {  	[tilespmem:s22], [sflag:$0x2] =	stream.indirect.gather [hbm4b:s3+s16], $0x40, s16, s16, $0xb8;
	[tilespmem:$0x19640] =	vst v63  }
0x2b: {  	_ = 	snop  }
0x2c: {  	[tilespmem:s2], [sflag:$0x1] =	stream.linear.gather [hbm4b:s8+s2], $0x320, $0x38;
	[tilespmem:$0x19640] =	vst v63  }
0x2d: {  	_ =	swait.ge [sflag:s18], $0xC800  }
0x2e: {  	[sflag:s18] =	ssyncset.done $0x0  }
0x2f: {  	[sflag:s18] =	ssyncadd.s32 $0xFFFF3800  }
0x30: {  	[hbm4b:s9+s19] =	stream.strided.scatter [tilespmem:s22], [sflag:$0x3], $0xC800, s20, s19, $0x38;
	[tilespmem:$0x19640] =	vst v63  }
0x31: {  	_ =	swait.ge [sflag:s21], $0x320  }
0x32: {  	[sflag:s21] =	ssyncset.done $0x0  }
0x33: {  	[sflag:s21] =	ssyncadd.s32 $0xFFFFFCE0  }
0x34: {  	_ =	swait.ge [sflag:s23], $0xC800  }
0x35: {  	[sflag:s23] =	ssyncset.done $0x0  }
0x36: {  	[sflag:s23] =	ssyncadd.s32 $0xFFFF3800  }
0x37: {  	[tilespmem:s17], [sflag:$0x2] =	stream.indirect.gather [hbm4b:s3+s16], $0x40, s2, s16, $0xb8;
	[tilespmem:$0x19640] =	vst v63  }
0x38: {  	s25 =	smov.u32 s14;
	s26 =	smov.u32 s12;
	s28 =	simm.s32 $0x0  }
0x39: {  	[tilespmem:s16], [sflag:$0x1] =	stream.linear.gather [hbm4b:s10+s2], $0x320, $0x38;
	[tilespmem:$0x19640] =	vst v63  }
.LBB2_2:
0x3a: {  	_ =	swait.ge [sflag:s18], $0xC800  }
0x3b: {  	[sflag:s18] =	ssyncset.done $0x0  }
0x3c: {  	[sflag:s18] =	ssyncadd.s32 $0xFFFF3800  }
0x3d: {  	[hbm4b:s25+s19] =	stream.strided.scatter [tilespmem:s17], [sflag:$0x3], $0xC800, s20, s19, $0x38;
	[tilespmem:$0x19640] =	vst v63  }
0x3e: {  	_ =	swait.ge [sflag:s21], $0x320  }
0x3f: {  	[sflag:s21] =	ssyncset.done $0x0  }
0x40: {  	[sflag:s21] =	ssyncadd.s32 $0xFFFFFCE0  }
0x41: {  	_ =	swait.ge [sflag:s23], $0xC800  }
0x42: {  	[sflag:s23] =	ssyncset.done $0x0  }
0x43: {  	p0 =	seq.s32 s28, $0xAF0;
	[sflag:s23] =	ssyncadd.s32 $0xFFFF3800  }
0x44: {  	[tilespmem:s22], [sflag:$0x2] =	stream.indirect.gather [hbm4b:s3+s16], $0x40, s16, s16, $0xb8;
	[tilespmem:$0x19640] =	vst v63  }
0x45: {  	s29 =	sadd.s32 @!p0 s28, s13;
	s30 =	simm.s32 @!p0 $0x0  }
0x46: {  	[tilespmem:s30], [sflag:$0x1] =	stream.linear.gather @!p0 [hbm4b:s29+s30], $0x320, $0x38;
	[tilespmem:$0x19640] =	vst v63  }
.Ltmp2:
0x47: {  	_ = 	snop;
	(pc) =	sbr.rel @p0 .LBB2_4-.Ltmp2, $4  }
0x48: {  	_ =	swait.ge [sflag:s18], $0xC800  }
0x49: {  	[sflag:s18] =	ssyncset.done $0x0  }
0x4a: {  	[sflag:s18] =	ssyncadd.s32 $0xFFFF3800  }
0x4b: {  	[hbm4b:s26+s19] =	stream.strided.scatter [tilespmem:s22], [sflag:$0x3], $0xC800, s20, s19, $0x38;
	[tilespmem:$0x19640] =	vst v63  }
0x4c: {  	_ =	swait.ge [sflag:s21], $0x320  }
0x4d: {  	[sflag:s21] =	ssyncset.done $0x0  }
0x4e: {  	[sflag:s21] =	ssyncadd.s32 $0xFFFFFCE0  }
0x4f: {  	_ =	swait.ge [sflag:s23], $0xC800  }
.Ltmp3:
0x50: {  	[sflag:s23] =	ssyncset.done $0x0;
	(pc) =	sbr.rel .LBB2_2-.Ltmp3, $4  }
0x51: {  	s29 =	sadd.s32 s28, s11;
	[sflag:s23] =	ssyncadd.s32 $0xFFFF3800  }
0x52: {  	[tilespmem:s17], [sflag:$0x2] =	stream.indirect.gather [hbm4b:s3+s16], $0x40, s2, s16, $0xb8;
	[tilespmem:$0x19640] =	vst v63  }
0x53: {  	s28 =	sadd.s32 $0xC8, s28;
	s26 =	sadd.s32 $0x6400, s26;
	s25 =	sadd.s32 $0x6400, s25  }
0x54: {  	[tilespmem:s16], [sflag:$0x1] =	stream.linear.gather [hbm4b:s29+s2], $0x320, $0x38;
	[tilespmem:$0x19640] =	vst v63  }
.LBB2_5:
0x55: {  	_ =	sfence.sel $0x180000  }
0x56: {  	[bflag:$0x0] =	sbarrier.arrive $0xFFFF  }
0x57: {  	p0 =	sne.s32 s1, $0x0;
	_ =	strace $0x9000004A  }
0x58: {  	s0 =	sadd.s32 @!p0 $0x100000, s0;
	[bflag:$0x2] =	sbarrier.arrive $0xFFFF  }
0x59: {  	[sflag:s0] =	ssyncadd.tile.s32 @!p0 $0x1;
	_ =	shalt  }
.Lfunc_end2:
_tile_overlayer_lowered:
.L_overlay_start_2:
0x5a: {  	(tag) =	ssettag $0x2  }
0x5b: {  	s0 =	rddreg [dreg:$0x0];
	s2 =	stileid.u32  }
0x5c: {  	s1 =	rddreg [dreg:$0x1];
	p0 =	sne.s32 s2, $0x0  }
0x5d: {  	s3 =	rddreg [dreg:$0x2];
	[bflag:$0x3] =	sbarrier.arrive $0xFFFF;
	s2 =	simm.s32 @!p0 $0x1C04  }
0x5e: {  	[timem:s3], [sflag:s2] =	dma.local @!p0 [hbm:s0], s1  }
0x5f: {  	s0 =	simm.s32 @!p0 $0x4  }
0x60: {  	_ =	swait.ge @!p0 [sflag:s0], s1  }
0x61: {  	s1 =	ssub.s32 @!p0 $0x0, s1;
	[sflag:s0] =	ssyncset.done @!p0 $0x0  }
0x62: {  	[sflag:s0] =	ssyncadd.s32 @!p0 s1  }
0x63: {  	[bflag:$0x3] =	sbarrier.arrive $0xFFFF  }
0x64: {  	_ =	shalt  }

// kernel: sparse-core-data-format-call.1.cloned.1.call-start
scs
called_computation.1_lowered:
.L_overlay_start_0:
0x0: {  	s2 =	sld [smem:$0x3FD9]  }
0x1: {  	s3 =	sld [smem:$0x3FFE];
	_ =	sdelay $0x1  }
0x2: {  	s1 =	srdreg.scid  }
0x3: {  	s0 =	sand.u32 $0x1, s1  }
0x4: {  	s18 =	sshll.u32 s0, $0xA;
	s2 =	sadd.s32 s3, s2  }
0x5: {  	s2 =	sadd.s32 s2, s18  }
0x6: {  	[smem:$0x3FC6] =	sst s2  }
0x7: {  	_ = 	snop  }
0x8: {  	s2 =	sld [smem:$0x3FC8];
	(tm) =	ssettm $0x1  }
0x9: {  	s19 =	sld [smem:$0x3FFB];
	_ =	sdelay $0x3  }
0xa: {  	_ =	strace s19  }
0xb: {  	s3 =	sld [smem:$0x3FFC];
	_ =	sdelay $0x3  }
0xc: {  	_ =	strace s3  }
0xd: {  	s3 =	sld [smem:$0x3FFD];
	_ =	sdelay $0x3  }
0xe: {  	_ =	strace s3  }
0xf: {  	_ =	strace $0x8FFFFFFF  }
0x10: {  	s20 =	sld [smem:$0x3FDB];
	_ =	sdelay $0x1  }
0x11: {  	s4 =	simm.s32 $_scs_section_size  }
0x12: {  	s5 =	simm.s32 $_size__tile_overlayer_lowered;
	s6 =	simm.s32 $_tile_overlayer_lowered  }
0x13: {  	s23 =	simm.s32 $0x1BFF;
	s22 =	sshll.u32 s6, $0x1;
	s3 =	sadd.s32 s4, s20  }
0x14: {  	s7 =	simm.s32 $0x0;
	s21 =	sshll.u32 s5, $0x1;
	s5 =	sadd.s32 s22, s3  }
0x15: {  	[timem:s7], [sflag:s23] =	dma.local [hbm:s5], s21  }
0x16: {  	_ =	swait.ge [sflag:s23], s21  }
0x17: {  	s4 =	ssub.s32 $0x0, s21;
	[sflag:s23] =	ssyncset.done $0x0  }
0x18: {  	[sflag:s23] =	ssyncadd.s32 s4;
	_ =	sdelay $0x1  }
0x19: {  	s24 =	simm.s32 $0x1B8B  }
0x1a: {  	_ =	swait.ge [sflag:s24], $0x1  }
0x1b: {  	[sflag:s24] =	ssyncset.done $0x0  }
0x1c: {  	s26 =	simm.s32 $0x1B8E;
	s25 =	sld [smem:$0x3FFE];
	[sflag:s24] =	ssyncadd.s32 $0xFFFFFFFF  }
0x1d: {  	s27 =	simm.s32 $execute0_lowered;
	[smem:$0x3FD2] =	sst s26  }
0x1e: {  	s5 =	sshll.u32 s27, $0x1;
	_ =	strace $0x80000046;
	[dreg:$0x1] =	wrdreg $0xFFFFFFFF  }
0x1f: {  	s28 =	simm.s32 $_size_execute0_lowered;
	s3 =	sadd.s32 s3, s5;
	[dreg:$0x0] =	wrdreg $0x0  }
0x20: {  	s5 =	sshll.u32 s28, $0x1;
	[dreg:$0x2] =	wrdreg s3  }
0x21: {  	[dreg:$0x3] =	wrdreg s5  }
0x22: {  	[dreg:$0x4] =	wrdreg $0xC0  }
0x23: {  	_ =	task [dreg:s7], $0x5FFFF  }
0x24: {  	[dreg:$0x1] =	wrdreg $0xFFFFFFFF  }
0x25: {  	[dreg:$0x0] =	wrdreg $0x60  }
0x26: {  	[dreg:$0x2] =	wrdreg s2  }
0x27: {  	[dreg:$0x3] =	wrdreg s25  }
0x28: {  	[dreg:$0x4] =	wrdreg $0x9  }
0x29: {  	_ =	task.clear_ibuf [dreg:s7], $0x5FFFF;
	_ =	strace $0x90000046  }
0x2a: {  	s29 =	simm.s32 $0x9;
	_ =	strace $0x80000048  }
0x2b: {  	_ =	swait.ge [sflag:s29], $0x1  }
0x2c: {  	[sflag:s29] =	ssyncadd.s32 $0xFFFFFFFF  }
0x2d: {  	_ =	strace $0x90000048  }
0x2e: {  	_ =	sfence  }
0x2f: {  	s30 =	sld [smem:$0x0];
	_ =	sdelay $0x2  }
0x30: {  	s31 =	sshll.u32 s1, $0xD;
	s1 =	sshrl.u32 s1, $0x2  }
0x31: {  	s3 =	sand.u32 $0x4000, s31;
	s1 =	sadd.s32 s1, s30  }
0x32: {  	s0 =	sor.u32 s3, s0;
	s1 =	sshll.u32 s1, $0x11  }
0x33: {  	s0 =	sor.u32 s1, s0  }
0x34: {  	s0 =	sadd.s32 $0x8F2B, s0  }
0x35: {  	[sflag:s0] =	ssyncadd.remote.s32 $0x1  }
0x36: {  	_ =	sfence.sel $0xFFFF  }
0x37: {  	[dreg:$0x0] =	wrdreg $0xFFFFFFFF;
	(pc) =	sbr.abs _section_cstart, $3  }
0x38: {  	[dreg:$0x1] =	wrdreg $0xFFFFFFFF  }
0x39: {  	_ =	task.clear_ibuf [dreg:s7], $0x2FFFF;
	_ =	strace $0x9FFFFFFF  }
0x3a: {  	(tm) =	ssettm $0x7FFFFFFF  }
0x3b: {  	_ =	shalt  }
tec
execute0_lowered:
.L_overlay_start_1:
0x0: {  	(tag) =	ssettag $0x1  }
0x1: {  	s0 =	srdreg.scid;
	s2 =	rddreg [dreg:$0x0]  }
0x2: {  	s5 =	rddreg [dreg:$0x1];
	s1 =	stileid.u32  }
0x3: {  	s4 =	simm.s32 $0x1;
	s6 =	simm.s32 $0x2;
	s15 =	simm.s32 $0x0  }
0x4: {  	p0 =	por $0x0, $0x0;
	s8 =	simm.s32 $0x80;
	s0 =	sshll.u32 s0, $0x4  }
0x5: {  	s14 =	simm.s32 $0x0;
	s9 =	simm.s32 $0x0;
	s3 =	sand.u32 $0x10, s0  }
.Ltmp0:
0x6: {  	s10 =	simm.s32 $0x0;
	s3 =	sor.u32 s1, s3;
	(pc) =	sbr.rel .LBB1_1-.Ltmp0, $4  }
0x7: {  	s0 =	rddreg [dreg:$0x2];
	_ =	strace $0x80000047;
	s3 =	sshll.u32 s3, $0x7  }
0x8: {  	s12 =	simm.s32 $0x0;
	[sflag:s4] =	ssyncpa.u1 $0x0;
	s7 =	ssub.s32 $0xF4200, s3  }
0x9: {  	s13 =	simm.s32 $0x0;
	[sflag:s6] =	ssyncpa.u1 $0x0;
	s6 =	sshrl.u32 s7, $0xC  }
0xa: {  	s5 =	sadd.s32 $0x1000, s5;
	s11 =	smov.u32 s3;
	s7 =	sadd.s32 $0x2, s6  }
.LBB1_5:
0xb: {  	p1 =	slt.u32 s13, $0x2  }
0xc: {  	s17 =	smov.u32 s15;
	p2 =	sgt.s32 @!p1 s15, $0xF41C0;
	s16 =	sshra.s32 @!p1 s15, $0x1F  }
0xd: {  	p3 =	sgt.s32 @!p1 s14, $0x40;
	s18 =	sshra.s32 @!p1 s14, $0x1F;
	p2 =	por !p2, p1  }
0xe: {  	s15 =	sand.u32 @!p1 s16, s15;
	p3 =	por !p3, p1;
	s16 =	smov.u32 s14  }
0xf: {  	s14 =	sand.u32 @!p1 s18, s14;
	s17 =	simm.s32 @p2 $0xF41C0;
	s16 =	simm.s32 @p3 $0x40  }
0x10: {  	s15 =	ssub.s32 @!p1 s17, s15;
	s14 =	ssub.s32 @!p1 s16, s14  }
0x11: {  	s18 =	smov.u32 s12;
	s16 =	sadd.s32 @!p1 $0xFFF0BE40, s15;
	s17 =	sadd.s32 @!p1 $0xFFFFFFC0, s14  }
0x12: {  	s15 =	ssub.s32 @!p1 $0xF4240, s15;
	p2 =	sgt.s32 @!p1 s16, $0x7F;
	p3 =	sgt.s32 @!p1 s17, $0x3F  }
0x13: {  	s14 =	ssub.s32 @!p1 $0x80, s14;
	p2 =	por !p2, p1;
	p3 =	por !p3, p1  }
0x14: {  	s16 =	sadd.s32 $0x1000, s11;
	s15 =	simm.s32 @!p2 $0x0;
	s14 =	simm.s32 @!p3 $0x0  }
0x15: {  	p2 =	sgt.s32 s16, $0xF423F;
	s14 =	smul.u32 @!p1 s14, s15;
	s15 =	sadd.s32 $0x40, s12  }
0x16: {  	s18 =	smov.u32 @p2 s15  }
0x17: {  	s16 =	smov.u32 @p2 s3;
	p2 =	sgt.s32 s18, $0x3F  }
0x18: {  	s18 =	simm.s32 @p2 $0x0;
	p2 =	sne.s32 s13, s7  }
.Ltmp1:
0x19: {  	p0 =	por !p0, !p0;
	s17 =	simm.s32 @!p1 $0x2;
	(pc) =	sbr.rel @!p2 .LBB1_6-.Ltmp1, $4  }
0x1a: {  	s15 =	smov.u32 s9;
	s9 =	smov.u32 s11;
	s14 =	sand.u32 @!p1 $0x3FFFFFFF, s14  }
0x1b: {  	s11 =	smov.u32 s16;
	_ =	swait.ge @!p1 [sflag:s17], s14;
	s19 =	ssub.s32 @!p1 $0x0, s14  }
0x1c: {  	s14 =	smov.u32 s10;
	s13 =	sadd.s32 $0x1, s13;
	[sflag:s17] =	ssyncset.done @!p1 $0x0  }
0x1d: {  	s10 =	smov.u32 s12;
	s12 =	smov.u32 s18;
	[sflag:s17] =	ssyncadd.s32 @!p1 s19  }
.LBB1_1:
0x1e: {  	p1 =	sgt.u32 s13, s6  }
0x1f: {  	s16 =	sshrl.u32 @!p1 s12, $0x3  }
0x20: {  	s17 =	sshll.u32 @!p1 s11, $0x3;
	s16 =	smul.u32 @!p1 $0x7A1400, s16  }
0x21: {  	s18 =	sshll.u32 @!p1 s12, $0x7;
	s17 =	sand.u32 @!p1 $0xFFFFFC00, s17  }
0x22: {  	s16 =	sadd.s32 @!p1 s16, s17;
	s17 =	sand.u32 @!p1 $0x380, s18  }
0x23: {  	s18 =	sand.u32 @!p1 $0x7F, s11;
	s16 =	sor.u32 @!p1 s17, s16  }
0x24: {  	s17 =	sor.u32 @!p1 s18, s16  }
0x25: {  	s18 =	smulhi.u32 @!p1 $0x218D6287, s17;
	_ =	sdelay $0x1  }
0x26: {  	s16 =	smulhi.u32 @!p1 $0x218D6287, s16;
	s18 =	sshrl.u32 @!p1 s18, $0x11  }
0x27: {  	s18 =	smul.u32 @!p1 $0xF4280, s18  }
0x28: {  	s19 =	sxor.u32 @!p1 $0xFFFFFFFF, s13;
	s16 =	sshrl.u32 @!p1 s16, $0x11  }
0x29: {  	s19 =	sshll.u32 @!p1 s19, $0xD;
	s16 =	sand.u32 @!p1 $0x3F, s16;
	s17 =	ssub.s32 @!p1 s17, s18  }
0x2a: {  	s16 =	smul.u32 @!p1 $0x1E850, s16;
	s18 =	sshrl.u32 @!p1 s17, $0x3;
	s17 =	sand.u32 @!p1 $0x7, s17  }
0x2b: {  	s19 =	sand.u32 @!p1 $0x2000, s19;
	s18 =	sadd.s32 @!p1 s2, s18;
	s17 =	sshll.u32 @!p1 s17, $0x12  }
0x2c: {  	s16 =	sadd.s32 @!p1 s16, s18;
	s17 =	sor.u32 @!p1 $0x400, s17;
	s18 =	simm.s32 @!p1 $0x7A1400  }
0x2d: {  	[tilespmem:s19], [sflag:$0x1] =	stream.strided.gather @!p1 [hbm4b:s16+s17], $0x2000, s18, s17, $0x38;
	[tilespmem:$0x8100] =	vst v63  }
0x2e: {  	p1 =	seq.s32 s13, $0x0  }
0x2f: {  	p2 =	sge.u32 @!p1 s13, s7  }
0x30: {  	p1 =	por p1, p2  }
.Ltmp2:
0x31: {  	_ = 	snop;
	(pc) =	sbr.rel @p1 .LBB1_5-.Ltmp2, $1  }
0x32: {  	_ =	sdelay $0x3  }
0x33: {  	s16 =	simm.s32 $0x1  }
0x34: {  	_ =	swait.ge [sflag:s4], $0x2000;
	s16 =	simm.s32 @!p0 $0x0  }
0x35: {  	[sflag:s4] =	ssyncset.done $0x0;
	s17 =	sshll.u32 s16, $0xD  }
0x36: {  	[sflag:s4] =	ssyncadd.s32 $0xFFFFE000;
	s17 =	sor.u32 $0x40, s17  }
0x37: {  	s16 =	smul.u32 $0x8200, s16;
	v0 =	vld [tilespmem:s17+$0x30]  }
0x38: {  	v1 =	vld [tilespmem:s17+$0xFFFFFFD0]  }
0x39: {  	s16 =	sshrl.u32 s16, $0x2;
	v5 =	vld [tilespmem:s17+$0xFFFFFFE0]  }
0x3a: {  	v6 =	vld [tilespmem:s17+$0xFFFFFFF0];
	s19 =	sor.u32 $0x4000, s16  }
0x3b: {  	s31 =	sand.u32 $0x1, s13;
	v4 =	vld [tilespmem:s17+$0x0];
	s18 =	sadd.s32 $0x0, s19  }
0x3c: {  	v3 =	vld [tilespmem:s17+$0x10];
	s16 =	smul.u32 $0x8200, s31;
	[tilespmem:s18+$0x1C70 ss:$0x41] =	vst.msk $0xffff, v0  }
0x3d: {  	v2 =	vld [tilespmem:s17+$0x20];
	[tilespmem:s18+$0x410 ss:$0x41] =	vst.msk $0xffff, v1  }
0x3e: {  	s16 =	sshrl.u32 s16, $0x2;
	v1 =	vld [tilespmem:s17+$0xFFFFFFC0];
	[tilespmem:s18+$0x820 ss:$0x41] =	vst.msk $0xffff, v5;
	s17 =	sadd.s32 $0x80, s17  }
0x3f: {  	s20 =	simm.s32 $0x4;
	s21 =	simm.s32 $0x8;
	s16 =	sor.u32 $0x4000, s16;
	[tilespmem:s18+$0xC30 ss:$0x41] =	vst.msk $0xffff, v6;
	v0 =	vld [tilespmem:s17+$0x30]  }
.LBB1_3:
0x40: {  	p1 =	sne.s32 s21, $0xFC;
	v5 =	vld [tilespmem:s17+$0xFFFFFFD0];
	[tilespmem:s18+$0x1040 ss:$0x41] =	vst.msk $0xffff, v4  }
0x41: {  	v6 =	vld [tilespmem:s17+$0xFFFFFFE0];
	[tilespmem:s18+$0x1450 ss:$0x41] =	vst.msk $0xffff, v3  }
0x42: {  	s22 =	sshra.s32 s20, $0x2;
	s20 =	smov.u32 s21;
	v7 =	vld [tilespmem:s17+$0xFFFFFFF0];
	[tilespmem:s18+$0x1860 ss:$0x41] =	vst.msk $0xffff, v2  }
.Ltmp3:
0x43: {  	v4 =	vld [tilespmem:s17+$0x0];
	[tilespmem:s18+$0x0 ss:$0x41] =	vst.msk $0xffff, v1;
	s18 =	sadd.s32 s22, s19;
	(pc) =	sbr.rel @p1 .LBB1_3-.Ltmp3, $4  }
0x44: {  	v3 =	vld [tilespmem:s17+$0x10];
	[tilespmem:s18+$0x1C70 ss:$0x41] =	vst.msk $0xffff, v0  }
0x45: {  	[tilespmem:s18+$0x410 ss:$0x41] =	vst.msk $0xffff, v5;
	v2 =	vld [tilespmem:s17+$0x20]  }
0x46: {  	v1 =	vld [tilespmem:s17+$0xFFFFFFC0];
	[tilespmem:s18+$0x820 ss:$0x41] =	vst.msk $0xffff, v6;
	s17 =	sadd.s32 $0x80, s17  }
0x47: {  	s21 =	sadd.s32 $0x4, s21;
	v0 =	vld [tilespmem:s17+$0x30];
	[tilespmem:s18+$0xC30 ss:$0x41] =	vst.msk $0xffff, v7  }
0x48: {  	s21 =	sshll.u32 s9, $0x7;
	s22 =	sshll.u32 s10, $0x3;
	s20 =	sshra.s32 s20, $0x2  }
0x49: {  	p1 =	sgt.s32 s9, $0xF41C0;
	s30 =	sshra.s32 s9, $0x1F;
	s25 =	sshra.s32 s10, $0x1F  }
0x4a: {  	v5 =	vld [tilespmem:s17+$0xFFFFFFD0];
	s28 =	sshrl.u32 s10, $0x3;
	s23 =	sand.u32 $0xFFFFFC00, s21;
	s22 =	sand.u32 $0xFFFFFC00, s22  }
0x4b: {  	[tilespmem:s18+$0x1040 ss:$0x41] =	vst.msk $0xffff, v4;
	v58 =	vld [tilespmem:s17+$0xFFFFFFE0];
	s21 =	sand.u32 $0x380, s21;
	s19 =	sadd.s32 s20, s19;
	s22 =	sadd.s32 s22, s23  }
0x4c: {  	v59 =	vld [tilespmem:s17+$0xFFFFFFF0];
	[tilespmem:s18+$0x1450 ss:$0x41] =	vst.msk $0xffff, v3;
	s29 =	sor.u32 s21, s22;
	s21 =	smov.u32 s9;
	s22 =	sand.u32 s30, s9  }
0x4d: {  	v60 =	vld [tilespmem:s17+$0x0];
	[tilespmem:s18+$0x1860 ss:$0x41] =	vst.msk $0xffff, v2;
	s30 =	sand.u32 $0x7, s10;
	s20 =	sshrl.u32 s29, $0x7;
	s21 =	simm.s32 @!p1 $0xF41C0  }
0x4e: {  	v61 =	vld [tilespmem:s17+$0x10];
	[tilespmem:s18+$0x0 ss:$0x41] =	vst.msk $0xffff, v1;
	p1 =	sgt.s32 s10, $0x40;
	s24 =	ssub.s32 s21, s22;
	s21 =	smov.u32 s10  }
0x4f: {  	v62 =	vld [tilespmem:s17+$0x20];
	[tilespmem:s19+$0x1C70 ss:$0x41] =	vst.msk $0xffff, v0;
	s31 =	smulhi.u32 $0x218DEF5, s20;
	s22 =	sand.u32 s25, s10;
	s21 =	simm.s32 @!p1 $0x40  }
0x50: {  	v63 =	vld [tilespmem:s17+$0xFFFFFFC0];
	[tilespmem:s19+$0x410 ss:$0x41] =	vst.msk $0xffff, v5;
	s26 =	sadd.s32 $0xFFF0BE40, s24;
	s17 =	ssub.s32 $0xF4240, s24;
	s21 =	ssub.s32 s21, s22  }
0x51: {  	[tilespmem:s19+$0x820 ss:$0x41] =	vst.msk $0xffff, v58;
	s23 =	sshrl.u32 s31, $0xD;
	p1 =	sgt.s32 s26, $0x7F;
	s27 =	sadd.s32 $0xFFFFFFC0, s21  }
0x52: {  	[tilespmem:s19+$0xC30 ss:$0x41] =	vst.msk $0xffff, v59;
	s23 =	smul.u32 $0xF4240, s23;
	s18 =	ssub.s32 $0x80, s21;
	p2 =	sgt.s32 s27, $0x3F  }
.Ltmp4:
0x53: {  	[tilespmem:s19+$0x1040 ss:$0x41] =	vst.msk $0xffff, v60;
	s17 =	simm.s32 @p1 $0x0;
	s18 =	simm.s32 @p2 $0x0;
	(pc) =	sbr.rel .LBB1_5-.Ltmp4, $4  }
0x54: {  	s29 =	sand.u32 $0xF, s28;
	[tilespmem:s19+$0x1450 ss:$0x41] =	vst.msk $0xffff, v61;
	s20 =	ssub.s32 s20, s23;
	s17 =	smul.u32 s18, s17  }
0x55: {  	[tilespmem:s19+$0x1860 ss:$0x41] =	vst.msk $0xffff, v62;
	s21 =	sshll.u32 s30, $0x12;
	s20 =	sshll.u32 s20, $0x4;
	s18 =	sadd.s32 s5, s29  }
0x56: {  	[tilespmem:s19+$0x0 ss:$0x41] =	vst.msk $0xffff, v63;
	s31 =	sor.u32 $0x40, s21;
	s18 =	sadd.s32 s20, s18;
	s17 =	sand.u32 $0x3FFFFFFF, s17  }
0x57: {  	[hbm4b:s18+s31] =	stream.strided.scatter [tilespmem:s16], [sflag:$0x2], s17, s8, s31, $0x18;
	[tilespmem:$0x8100] =	vst v63  }
.LBB1_6:
0x58: {  	_ =	sfence.sel $0x180000  }
0x59: {  	s2 =	simm.s32 $0x1;
	[bflag:$0x0] =	sbarrier.arrive $0xFFFF  }
0x5a: {  	s31 =	simm.s32 $0x2;
	[sflag:s2] =	ssyncpa.u1 $0x1  }
0x5b: {  	[sflag:s31] =	ssyncpa.u1 $0x1  }
0x5c: {  	p0 =	sne.s32 s1, $0x0;
	_ =	strace $0x90000047  }
0x5d: {  	s0 =	sadd.s32 @!p0 $0x100000, s0;
	[bflag:$0x2] =	sbarrier.arrive $0xFFFF  }
0x5e: {  	[sflag:s0] =	ssyncadd.tile.s32 @!p0 $0x1;
	_ =	shalt  }
.Lfunc_end1:
_tile_overlayer_lowered:
.L_overlay_start_2:
0x5f: {  	(tag) =	ssettag $0x2  }
0x60: {  	s0 =	rddreg [dreg:$0x0];
	s2 =	stileid.u32  }
0x61: {  	s1 =	rddreg [dreg:$0x1];
	p0 =	sne.s32 s2, $0x0  }
0x62: {  	s3 =	rddreg [dreg:$0x2];
	[bflag:$0x3] =	sbarrier.arrive $0xFFFF;
	s2 =	simm.s32 @!p0 $0x1C01  }
0x63: {  	[timem:s3], [sflag:s2] =	dma.local @!p0 [hbm:s0], s1  }
0x64: {  	s0 =	simm.s32 @!p0 $0x1  }
0x65: {  	_ =	swait.ge @!p0 [sflag:s0], s1  }
0x66: {  	s1 =	ssub.s32 @!p0 $0x0, s1;
	[sflag:s0] =	ssyncset.done @!p0 $0x0  }
0x67: {  	[sflag:s0] =	ssyncadd.s32 @!p0 s1  }
0x68: {  	[bflag:$0x3] =	sbarrier.arrive $0xFFFF  }
0x69: {  	_ =	shalt  }

// kernel: sparse-core-data-format-call.cloned.1.call-start
scs
called_computation_lowered:
.L_overlay_start_0:
0x0: {  	s2 =	sld [smem:$0x3FD9]  }
0x1: {  	s3 =	sld [smem:$0x3FFE];
	_ =	sdelay $0x1  }
0x2: {  	s1 =	srdreg.scid  }
0x3: {  	s0 =	sand.u32 $0x1, s1  }
0x4: {  	s15 =	sshll.u32 s0, $0xA;
	s2 =	sadd.s32 s3, s2  }
0x5: {  	s2 =	sadd.s32 s2, s15  }
0x6: {  	[smem:$0x3FC6] =	sst s2  }
0x7: {  	_ = 	snop  }
0x8: {  	s2 =	sld [smem:$0x3FD0];
	_ =	sdelay $0x2  }
0x9: {  	s16 =	simm.s32 $0xA;
	s4 =	simm.s32 $0x10  }
0xa: {  	[smem:s4], [sflag:s16] =	dma.local [hbm:s2], $0x1  }
0xb: {  	_ =	swait.eq [sflag:s16], $0x1  }
0xc: {  	[sflag:s16] =	ssyncset.done $0x0  }
0xd: {  	[sflag:s16] =	ssyncadd.s32 $0xFFFFFFFF  }
0xe: {  	s17 =	sld [smem:$0x10];
	(tm) =	ssettm $0x1  }
0xf: {  	s18 =	sld [smem:$0x3FFB];
	_ =	sdelay $0x3  }
0x10: {  	_ =	strace s18  }
0x11: {  	s3 =	sld [smem:$0x3FFC];
	_ =	sdelay $0x3  }
0x12: {  	_ =	strace s3  }
0x13: {  	s3 =	sld [smem:$0x3FFD];
	_ =	sdelay $0x3  }
0x14: {  	_ =	strace s3  }
0x15: {  	_ =	strace $0x8FFFFFFF  }
0x16: {  	s19 =	sld [smem:$0x3FDB];
	_ =	sdelay $0x1  }
0x17: {  	s20 =	simm.s32 $_scs_section_size  }
0x18: {  	s5 =	simm.s32 $_size__tile_overlayer_lowered;
	s6 =	simm.s32 $_tile_overlayer_lowered  }
0x19: {  	s23 =	simm.s32 $0x1BFF;
	s22 =	sshll.u32 s6, $0x1;
	s3 =	sadd.s32 s20, s19  }
0x1a: {  	s7 =	simm.s32 $0x0;
	s21 =	sshll.u32 s5, $0x1;
	s5 =	sadd.s32 s22, s3  }
0x1b: {  	[timem:s7], [sflag:s23] =	dma.local [hbm:s5], s21  }
0x1c: {  	_ =	swait.ge [sflag:s23], s21  }
0x1d: {  	s4 =	ssub.s32 $0x0, s21;
	[sflag:s23] =	ssyncset.done $0x0  }
0x1e: {  	[sflag:s23] =	ssyncadd.s32 s4;
	_ =	sdelay $0x1  }
0x1f: {  	s24 =	simm.s32 $0x1B8B  }
0x20: {  	_ =	swait.ge [sflag:s24], $0x1  }
0x21: {  	[sflag:s24] =	ssyncset.done $0x0  }
0x22: {  	s26 =	simm.s32 $0x1B8E;
	s25 =	sld [smem:$0x3FFE];
	[sflag:s24] =	ssyncadd.s32 $0xFFFFFFFF  }
0x23: {  	s27 =	simm.s32 $execute0_lowered;
	[smem:$0x3FD2] =	sst s26  }
0x24: {  	s5 =	sshll.u32 s27, $0x1;
	_ =	strace $0x8000004C;
	[dreg:$0x1] =	wrdreg $0xFFFFFFFF  }
0x25: {  	s28 =	simm.s32 $_size_execute0_lowered;
	s3 =	sadd.s32 s3, s5;
	[dreg:$0x0] =	wrdreg $0x0  }
0x26: {  	s5 =	sshll.u32 s28, $0x1;
	[dreg:$0x2] =	wrdreg s3  }
0x27: {  	[dreg:$0x3] =	wrdreg s5  }
0x28: {  	[dreg:$0x4] =	wrdreg $0xC0  }
0x29: {  	_ =	task [dreg:s7], $0x5FFFF  }
0x2a: {  	[dreg:$0x1] =	wrdreg $0xFFFFFFFF  }
0x2b: {  	[dreg:$0x0] =	wrdreg $0x60  }
0x2c: {  	[dreg:$0x2] =	wrdreg s25  }
0x2d: {  	[dreg:$0x3] =	wrdreg s17  }
0x2e: {  	[dreg:$0x4] =	wrdreg $0x9  }
0x2f: {  	_ =	task.clear_ibuf [dreg:s7], $0x5FFFF;
	_ =	strace $0x9000004C  }
0x30: {  	s29 =	simm.s32 $0x9;
	_ =	strace $0x8000004E  }
0x31: {  	_ =	swait.ge [sflag:s29], $0x1  }
0x32: {  	[sflag:s29] =	ssyncadd.s32 $0xFFFFFFFF  }
0x33: {  	_ =	strace $0x9000004E  }
0x34: {  	_ =	sfence  }
0x35: {  	s30 =	sld [smem:$0x0];
	_ =	sdelay $0x2  }
0x36: {  	s31 =	sshll.u32 s1, $0xD;
	s1 =	sshrl.u32 s1, $0x2  }
0x37: {  	s3 =	sand.u32 $0x4000, s31;
	s1 =	sadd.s32 s1, s30  }
0x38: {  	s0 =	sor.u32 s3, s0;
	s1 =	sshll.u32 s1, $0x11  }
0x39: {  	s0 =	sor.u32 s1, s0  }
0x3a: {  	s0 =	sadd.s32 $0x8F2B, s0  }
0x3b: {  	[sflag:s0] =	ssyncadd.remote.s32 $0x1  }
0x3c: {  	_ =	sfence.sel $0xFFFF  }
0x3d: {  	[dreg:$0x0] =	wrdreg $0xFFFFFFFF;
	(pc) =	sbr.abs _section_cstart, $3  }
0x3e: {  	[dreg:$0x1] =	wrdreg $0xFFFFFFFF  }
0x3f: {  	_ =	task.clear_ibuf [dreg:s7], $0x2FFFF;
	_ =	strace $0x9FFFFFFF  }
0x40: {  	(tm) =	ssettm $0x7FFFFFFF  }
0x41: {  	_ =	shalt  }
tec
execute0_lowered:
.L_overlay_start_1:
0x0: {  	(tag) =	ssettag $0x1  }
0x1: {  	s0 =	srdreg.scid  }
0x2: {  	s1 =	sshll.u32 s0, $0x4  }
0x3: {  	s0 =	stileid.u32;
	s1 =	sand.u32 $0x10, s1  }
0x4: {  	s1 =	sor.u32 s0, s1  }
0x5: {  	s6 =	rddreg [dreg:$0x0];
	s4 =	simm.s32 $0x1;
	s2 =	sshll.u32 s1, $0x7  }
0x6: {  	s7 =	simm.s32 $0x2;
	s12 =	simm.s32 $0x0;
	s1 =	ssub.s32 $0x1000, s2  }
0x7: {  	s8 =	simm.s32 $0x8000;
	s13 =	simm.s32 $0x0;
	s3 =	sand.u32 $0xF80, s1  }
0x8: {  	s9 =	simm.s32 $0x0;
	s5 =	sshrl.u32 s1, $0xC;
	p0 =	sne.s32 s3, $0x0  }
.Ltmp0:
0x9: {  	s1 =	rddreg [dreg:$0x2];
	s4 =	simm.s32 @!p0 $0x0;
	(pc) =	sbr.rel .LBB1_1-.Ltmp0, $4  }
0xa: {  	s11 =	simm.s32 $0x0;
	s3 =	rddreg [dreg:$0x1];
	s5 =	sadd.s32 s4, s5  }
0xb: {  	_ =	strace $0x8000004D;
	s4 =	simm.s32 $0x1;
	s5 =	smul.u32 $0xC8, s5  }
0xc: {  	s6 =	sadd.s32 $0x1000, s6;
	s10 =	smov.u32 s2;
	[sflag:s4] =	ssyncpa.u1 $0x0  }
0xd: {  	p0 =	por $0x0, $0x0;
	[sflag:s7] =	ssyncpa.u1 $0x0;
	s7 =	sor.u32 $0x1, s5  }
.LBB1_4:
0xe: {  	s16 =	sshll.u32 s13, $0x3;
	s17 =	sand.u32 $0x78, s13  }
0xf: {  	s30 =	sand.u32 $0x7E00, s13;
	s12 =	sshll.u32 s12, $0xF;
	s16 =	sand.u32 $0xC00, s16  }
0x10: {  	[tilespmem:s15+$0x810 ss:$0x81] =	vst.msk $0xffff, v2;
	s31 =	sand.u32 $0x7, s13;
	s16 =	sor.u32 s17, s16;
	s17 =	sadd.s32 s3, s30  }
0x11: {  	[tilespmem:s15+$0x1020 ss:$0x81] =	vst.msk $0xffff, v0;
	s13 =	sshll.u32 s31, $0x12;
	s12 =	sadd.s32 s12, s17;
	s16 =	sshrl.u32 s16, $0x3  }
0x12: {  	[tilespmem:s15+$0x0 ss:$0x81] =	vst.msk $0xffff, v1;
	s13 =	sor.u32 $0x400, s13;
	s12 =	sadd.s32 s16, s12  }
0x13: {  	[hbm4b:s12+s13] =	stream.strided.scatter [tilespmem:s14], [sflag:$0x2], $0x2000, s8, s13, $0x20;
	[tilespmem:$0x8080] =	vst v63  }
.LBB1_5:
0x14: {  	s14 =	sadd.s32 $0x1, s9  }
0x15: {  	s12 =	sadd.s32 $0x1000, s10;
	s16 =	smov.u32 s10;
	p2 =	sgt.s32 s14, $0xC7  }
0x16: {  	s16 =	smov.u32 @p2 s12  }
0x17: {  	s14 =	simm.s32 @p2 $0x0;
	p2 =	sgt.s32 s16, $0xFFF  }
0x18: {  	s16 =	smov.u32 @p2 s2;
	p2 =	sne.s32 s11, s7  }
.Ltmp1:
0x19: {  	p1 =	slt.u32 s11, $0x2;
	(pc) =	sbr.rel @!p2 .LBB1_6-.Ltmp1, $4  }
0x1a: {  	s15 =	simm.s32 @!p1 $0x2  }
0x1b: {  	s13 =	smov.u32 s10;
	p0 =	por !p0, !p0;
	_ =	swait.ge @!p1 [sflag:s15], $0x2000  }
0x1c: {  	s12 =	smov.u32 s9;
	[sflag:s15] =	ssyncset.done @!p1 $0x0;
	s9 =	smov.u32 s14  }
0x1d: {  	s11 =	sadd.s32 $0x1, s11;
	[sflag:s15] =	ssyncadd.s32 @!p1 $0xFFFFE000;
	s10 =	smov.u32 s16  }
.LBB1_1:
0x1e: {  	p1 =	sge.u32 s11, s5  }
0x1f: {  	s14 =	sand.u32 @!p1 $0x1FFFFFF, s9  }
0x20: {  	s15 =	smulhi.u32 @!p1 $0x147AE15, s14;
	_ =	sdelay $0x1  }
0x21: {  	s15 =	smul.u32 @!p1 $0xC8, s15  }
0x22: {  	s16 =	sxor.u32 @!p1 $0xFFFFFFFF, s11;
	s17 =	smul.u32 @!p1 $0xC80, s10  }
0x23: {  	s31 =	sadd.s32 $0xFFFFFFFF, s11;
	s16 =	sshll.u32 @!p1 s16, $0xD;
	s14 =	ssub.s32 @!p1 s14, s15  }
0x24: {  	s15 =	sand.u32 @!p1 $0x2000, s16;
	s16 =	sadd.s32 @!p1 s6, s17;
	s14 =	sshll.u32 @!p1 s14, $0x4  }
0x25: {  	s17 =	simm.s32 @!p1 $0x6400;
	s14 =	sadd.s32 @!p1 s14, s16;
	s16 =	simm.s32 @!p1 $0x40  }
0x26: {  	[tilespmem:s15], [sflag:$0x1] =	stream.strided.gather @!p1 [hbm4b:s14+s16], $0x2000, s17, s16, $0x38;
	[tilespmem:$0x8080] =	vst v63  }
0x27: {  	p1 =	sge.u32 s31, s5  }
.Ltmp2:
0x28: {  	_ = 	snop;
	(pc) =	sbr.rel @p1 .LBB1_5-.Ltmp2, $1  }
0x29: {  	_ =	sdelay $0x3  }
0x2a: {  	s14 =	simm.s32 $0x1  }
0x2b: {  	_ =	swait.ge [sflag:s4], $0x2000;
	s14 =	simm.s32 @!p0 $0x0  }
0x2c: {  	[sflag:s4] =	ssyncset.done $0x0;
	s15 =	sshll.u32 s14, $0xD  }
0x2d: {  	[sflag:s4] =	ssyncadd.s32 $0xFFFFE000;
	s18 =	sor.u32 $0x20, s15  }
0x2e: {  	s14 =	smul.u32 $0x8100, s14;
	v3 =	vld [tilespmem:s18+$0x10]  }
0x2f: {  	s30 =	sand.u32 $0x1, s11;
	v2 =	vld [tilespmem:s18+$0xFFFFFFF0]  }
0x30: {  	s15 =	smul.u32 $0x8100, s30;
	s14 =	sshrl.u32 s14, $0x2;
	v0 =	vld [tilespmem:s18+$0x0]  }
0x31: {  	v1 =	vld [tilespmem:s18+$0xFFFFFFE0];
	s16 =	sor.u32 $0x4000, s14  }
0x32: {  	s31 =	sshrl.u32 s15, $0x2;
	s15 =	sadd.s32 $0x0, s16  }
0x33: {  	s17 =	simm.s32 $0x4;
	s18 =	sadd.s32 $0x40, s18;
	s14 =	sor.u32 $0x4000, s31;
	[tilespmem:s15+$0x1830 ss:$0x81] =	vst.msk $0xffff, v3  }
.LBB1_3:
0x34: {  	v3 =	vld [tilespmem:s18+$0x10];
	p1 =	sne.s32 s17, $0x1FC;
	[tilespmem:s15+$0x810 ss:$0x81] =	vst.msk $0xffff, v2;
	s19 =	smov.u32 s17;
	s17 =	sadd.s32 $0x4, s17  }
.Ltmp3:
0x35: {  	v2 =	vld [tilespmem:s18+$0xFFFFFFF0];
	[tilespmem:s15+$0x1020 ss:$0x81] =	vst.msk $0xffff, v0;
	(pc) =	sbr.rel @p1 .LBB1_3-.Ltmp3, $4  }
0x36: {  	v0 =	vld [tilespmem:s18+$0x0];
	[tilespmem:s15+$0x0 ss:$0x81] =	vst.msk $0xffff, v1  }
0x37: {  	s15 =	sshra.s32 s19, $0x2;
	v1 =	vld [tilespmem:s18+$0xFFFFFFE0]  }
0x38: {  	s15 =	sadd.s32 s15, s16  }
0x39: {  	s18 =	sadd.s32 $0x40, s18;
	[tilespmem:s15+$0x1830 ss:$0x81] =	vst.msk $0xffff, v3  }
.Ltmp4:
0x3a: {  	_ = 	snop;
	(pc) =	sbr.rel .LBB1_4-.Ltmp4, $1  }
0x3b: {  	_ =	sdelay $0x3  }
.LBB1_6:
0x3c: {  	_ =	sfence.sel $0x180000  }
0x3d: {  	s2 =	simm.s32 $0x1;
	[bflag:$0x0] =	sbarrier.arrive $0xFFFF  }
0x3e: {  	s31 =	simm.s32 $0x2;
	[sflag:s2] =	ssyncpa.u1 $0x1  }
0x3f: {  	[sflag:s31] =	ssyncpa.u1 $0x1  }
0x40: {  	p0 =	sne.s32 s0, $0x0;
	_ =	strace $0x9000004D  }
0x41: {  	s0 =	sadd.s32 @!p0 $0x100000, s1;
	[bflag:$0x2] =	sbarrier.arrive $0xFFFF  }
0x42: {  	[sflag:s0] =	ssyncadd.tile.s32 @!p0 $0x1;
	_ =	shalt  }
.Lfunc_end1:
_tile_overlayer_lowered:
.L_overlay_start_2:
0x43: {  	(tag) =	ssettag $0x2  }
0x44: {  	s0 =	rddreg [dreg:$0x0];
	s2 =	stileid.u32  }
0x45: {  	s1 =	rddreg [dreg:$0x1];
	p0 =	sne.s32 s2, $0x0  }
0x46: {  	s3 =	rddreg [dreg:$0x2];
	[bflag:$0x3] =	sbarrier.arrive $0xFFFF;
	s2 =	simm.s32 @!p0 $0x1C01  }
0x47: {  	[timem:s3], [sflag:s2] =	dma.local @!p0 [hbm:s0], s1  }
0x48: {  	s0 =	simm.s32 @!p0 $0x1  }
0x49: {  	_ =	swait.ge @!p0 [sflag:s0], s1  }
0x4a: {  	s1 =	ssub.s32 @!p0 $0x0, s1;
	[sflag:s0] =	ssyncset.done @!p0 $0x0  }
0x4b: {  	[sflag:s0] =	ssyncadd.s32 @!p0 s1  }
0x4c: {  	[bflag:$0x3] =	sbarrier.arrive $0xFFFF  }
0x4d: {  	_ =	shalt  }

</sc_bundles>
